<compile_context>
chip_gen: v7x
topology: tpu7x:2x2x1
jax: 0.10.2.dev20260603
libtpu: 0.0.44.dev20260713+nightly
codegen_flags: <defaults>
</compile_context>

<pallas_src>
import functools

import jax
import jax.numpy as jnp
from jax import lax
from jax.experimental import pallas as pl
from jax.experimental.pallas import tpu as pltpu
from jax.experimental.pallas import tpu_sc as plsc

_LANES = 16


def _table_body(d, w_ref, x_ref, b_ref, out_ref):
    w = w_ref[...]
    w4 = jnp.concatenate([w[:, :d], w[:, d:]], axis=0)
    b4 = jnp.concatenate([b_ref[...], jnp.zeros_like(b_ref[...])], axis=0)
    out_ref[...] = (
        lax.dot_general(
            w4, x_ref[...],
            (((1,), (1,)), ((), ())),
            preferred_element_type=jnp.float32,
        )
        + b4
    )


def _edge_body(epw, wmax, n_nodes, n_cores, tab_hbm, edge_hbm, out_hbm,
               tab_sh, tab_v, idx_v, out_v, tab_sem, idx_sem, out_sem):
    wid = lax.axis_index("s") * n_cores + lax.axis_index("c")
    a = wid * epw // 128 * 128
    cnt = (wid + 1) * epw // 128 * 128 - a
    body = wmax - 128
    half = body // 256 * 128

    cp_idx = pltpu.async_copy(edge_hbm.at[:, pl.ds(a, wmax)], idx_v, idx_sem)
    with jax.named_scope("tab_spmem"):
        @pl.when(lax.axis_index("s") == 0)
        def _stage():
            pltpu.sync_copy(tab_hbm, tab_sh)

        plsc.subcore_barrier()
    with jax.named_scope("in_dma"):
        cp_tab = pltpu.async_copy(tab_sh, tab_v, tab_sem)
        cp_tab.wait()
        cp_idx.wait()

    n1, n2, n3 = n_nodes, 2 * n_nodes, 3 * n_nodes

    def chunk(off):
        s = idx_v[0, pl.ds(off, _LANES)]
        d = idx_v[1, pl.ds(off, _LANES)]
        a0 = plsc.load_gather(tab_v, [s])
        a1 = plsc.load_gather(tab_v, [s + n1])
        b0 = plsc.load_gather(tab_v, [d + n2])
        b1 = plsc.load_gather(tab_v, [d + n3])
        out_v[0, pl.ds(off, _LANES)] = a0 + b0
        out_v[1, pl.ds(off, _LANES)] = a1 + b1

    with jax.named_scope("loop1"):
        plsc.parallel_loop(0, half, _LANES, unroll=4)(chunk)
    cp_out = pltpu.async_copy(
        out_v.at[:, pl.ds(0, half)], out_hbm.at[:, pl.ds(a, half)], out_sem
    )
    with jax.named_scope("loop2"):
        plsc.parallel_loop(half, cnt, _LANES, unroll=4)(chunk)
    pltpu.sync_copy(
        out_v.at[:, pl.ds(half, body - half)],
        out_hbm.at[:, pl.ds(a + half, body - half)],
    )

    @pl.when(cnt == wmax)
    def _tail():
        pltpu.sync_copy(
            out_v.at[:, pl.ds(body, 128)], out_hbm.at[:, pl.ds(a + body, 128)]
        )

    with jax.named_scope("out_drain"):
        cp_out.wait()


def kernel(x, edge_index, W, b):
    n_nodes, d = x.shape
    n_classes = W.shape[0]
    n_edges = edge_index.shape[1]
    assert n_classes == 2 and W.shape[1] == 2 * d and n_edges % 128 == 0

    table = pl.pallas_call(
        functools.partial(_table_body, d),
        out_shape=jax.ShapeDtypeStruct((2 * n_classes, n_nodes), jnp.float32),
    )(W, x, b.reshape(n_classes, 1))

    info = plsc.get_sparse_core_info()
    n_workers = info.num_cores * info.num_subcores
    epw = n_edges // n_workers
    cnts = {((w + 1) * epw // 128 - w * epw // 128) * 128
            for w in range(n_workers)}
    wmax = max(cnts)
    assert cnts <= {wmax, wmax - 128} and wmax % _LANES == 0

    mesh = plsc.VectorSubcoreMesh(core_axis_name="c", subcore_axis_name="s")
    edge_fn = pl.kernel(
        functools.partial(_edge_body, epw, wmax, n_nodes, info.num_cores),
        out_type=jax.ShapeDtypeStruct((n_classes, n_edges), jnp.float32),
        mesh=mesh,
        compiler_params=pltpu.CompilerParams(needs_layout_passes=False),
        scratch_types=[
            pltpu.VMEM_SHARED((n_nodes * 2 * n_classes,), jnp.float32),
            pltpu.VMEM((n_nodes * 2 * n_classes,), jnp.float32),
            pltpu.VMEM((2, wmax), jnp.int32),
            pltpu.VMEM((n_classes, wmax), jnp.float32),
            pltpu.SemaphoreType.DMA,
            pltpu.SemaphoreType.DMA,
            pltpu.SemaphoreType.DMA,
        ],
    )
    out = edge_fn(table.reshape(-1), edge_index)
    return out.T

# --- scband reference (transcript-rebuilt; emitter-appended) ---
"""Pipeline reference for scband-score-predictor-47201690583400 (READ-ONLY COPY).

The authoritative reference and input builder live on the scoring server;
editing this copy changes nothing except your own understanding.
"""

import jax, jax.numpy as jnp
import numpy as np

N_NODES = 10000
N_EDGES = 320000
D_FEAT = 128
NUM_CLASSES = 2


def setup_inputs(seed: int = 0) -> dict:
    key = jax.random.key(seed)
    k1, k2, k3 = jax.random.split(key, 3)
    x = jax.random.normal(k1, (N_NODES, D_FEAT), dtype=jnp.float32)
    edge_index = jax.random.randint(k2, (2, N_EDGES), 0, N_NODES, dtype=jnp.int32)
    # Learned params of nn.Linear(2*in_features, num_classes)
    W = jax.random.normal(k3, (NUM_CLASSES, 2 * D_FEAT), dtype=jnp.float32) * 0.05
    b = jnp.zeros((NUM_CLASSES,), dtype=jnp.float32)
    return {"x": x, "edge_index": edge_index, "W": W, "b": b}


def reference(x, edge_index, W, b):
    # edge_features is None -> apply_edges concatenates src/dst node features
    # then applies a single Linear to produce per-edge scores.
    src = jnp.take(x, edge_index[0], axis=0)  # [E, d]
    dst = jnp.take(x, edge_index[1], axis=0)  # [E, d]
    feat = jnp.concatenate([src, dst], axis=1)  # [E, 2d]
    score = feat @ W.T + b  # [E, num_classes]
    return score

if __name__ == "__main__":
    import jax
    _d = setup_inputs()
    print(jax.jit(kernel)(*tuple(_d.values())))

</pallas_src>

<mosaic_0001>
#map = affine_map<(d0, d1) -> (0)>
#map1 = affine_map<(d0, d1) -> (0, 0)>
module attributes {stable_mosaic.version = 14 : i64} {
  func.func @_edge_body(%arg0: i32, %arg1: i32, %arg2: memref<40000xf32, #tpu.memory_space<hbm>>, %arg3: memref<2x320000xi32, #tpu.memory_space<hbm>>, %arg4: memref<2x320000xf32, #tpu.memory_space<hbm>>, %arg5: memref<40000xf32, #tpu.memory_space<vmem_shared>>, %arg6: memref<40000xf32, #tpu.memory_space<vmem>>, %arg7: memref<2x10112xi32, #tpu.memory_space<vmem>>, %arg8: memref<2x10112xf32, #tpu.memory_space<vmem>>, %arg9: memref<!tpu.dma_semaphore, #tpu.memory_space<semaphore_mem>>, %arg10: memref<!tpu.dma_semaphore, #tpu.memory_space<semaphore_mem>>, %arg11: memref<!tpu.dma_semaphore, #tpu.memory_space<semaphore_mem>>) attributes {dimension_semantics = [#tpu.dimension_semantics<core_parallel>, #tpu.dimension_semantics<subcore_parallel>], iteration_bounds = array<i64: 2, 16>, scalar_prefetch = 0 : i64, scratch_operands = 7 : i64, tpu.core_type = #tpu.core_type<sc_vector_subcore>, window_params = [{transform_indices = #map}, {transform_indices = #map1}, {transform_indices = #map1}]} {
    %mul3A = arith.constant 2 : i32
    %mul3A_0 = arith.muli %arg1, %mul3A : i32
    %add3A = arith.addi %mul3A_0, %arg0 : i32
    %mul3A_1 = arith.constant 10000 : i32
    %mul3A_2 = arith.muli %add3A, %mul3A_1 : i32
    %jit3A = arith.constant 128 : i32
    %div3A = arith.divsi %mul3A_2, %jit3A : i32
    %sign3A = arith.constant 0 : i32
    %sign3A_3 = arith.cmpi sgt, %mul3A_2, %sign3A : i32
    %sign3A_4 = arith.extui %sign3A_3 : i1 to i32
    %sign3A_5 = arith.constant 0 : i32
    %sign3A_6 = arith.cmpi slt, %mul3A_2, %sign3A_5 : i32
    %sign3A_7 = arith.extui %sign3A_6 : i1 to i32
    %sign3A_8 = arith.subi %sign3A_4, %sign3A_7 : i32
    %sign3A_9 = arith.constant 0 : i32
    %sign3A_10 = arith.cmpi sgt, %jit3A, %sign3A_9 : i32
    %sign3A_11 = arith.extui %sign3A_10 : i1 to i32
    %sign3A_12 = arith.constant 0 : i32
    %sign3A_13 = arith.cmpi slt, %jit3A, %sign3A_12 : i32
    %sign3A_14 = arith.extui %sign3A_13 : i1 to i32
    %sign3A_15 = arith.subi %sign3A_11, %sign3A_14 : i32
    %ne3A = arith.cmpi ne, %sign3A_8, %sign3A_15 : i32
    %rem3A = arith.remsi %mul3A_2, %jit3A : i32
    %ne3A_16 = arith.constant 0 : i32
    %ne3A_17 = arith.cmpi ne, %rem3A, %ne3A_16 : i32
    %and3A = arith.andi %ne3A, %ne3A_17 : i1
    %sub3A = arith.constant 1 : i32
    %sub3A_18 = arith.subi %div3A, %sub3A : i32
    %select_n3A = arith.select %and3A, %sub3A_18, %div3A : i32
    %mul3A_19 = arith.constant 128 : i32
    %mul3A_20 = arith.muli %select_n3A, %mul3A_19 : i32
    %add3A_21 = arith.constant 1 : i32
    %add3A_22 = arith.addi %add3A, %add3A_21 : i32
    %mul3A_23 = arith.constant 10000 : i32
    %mul3A_24 = arith.muli %add3A_22, %mul3A_23 : i32
    %jit3A_25 = arith.constant 128 : i32
    %div3A_26 = arith.divsi %mul3A_24, %jit3A_25 : i32
    %sign3A_27 = arith.constant 0 : i32
    %sign3A_28 = arith.cmpi sgt, %mul3A_24, %sign3A_27 : i32
    %sign3A_29 = arith.extui %sign3A_28 : i1 to i32
    %sign3A_30 = arith.constant 0 : i32
    %sign3A_31 = arith.cmpi slt, %mul3A_24, %sign3A_30 : i32
    %sign3A_32 = arith.extui %sign3A_31 : i1 to i32
    %sign3A_33 = arith.subi %sign3A_29, %sign3A_32 : i32
    %sign3A_34 = arith.constant 0 : i32
    %sign3A_35 = arith.cmpi sgt, %jit3A_25, %sign3A_34 : i32
    %sign3A_36 = arith.extui %sign3A_35 : i1 to i32
    %sign3A_37 = arith.constant 0 : i32
    %sign3A_38 = arith.cmpi slt, %jit3A_25, %sign3A_37 : i32
    %sign3A_39 = arith.extui %sign3A_38 : i1 to i32
    %sign3A_40 = arith.subi %sign3A_36, %sign3A_39 : i32
    %ne3A_41 = arith.cmpi ne, %sign3A_33, %sign3A_40 : i32
    %rem3A_42 = arith.remsi %mul3A_24, %jit3A_25 : i32
    %ne3A_43 = arith.constant 0 : i32
    %ne3A_44 = arith.cmpi ne, %rem3A_42, %ne3A_43 : i32
    %and3A_45 = arith.andi %ne3A_41, %ne3A_44 : i1
    %sub3A_46 = arith.constant 1 : i32
    %sub3A_47 = arith.subi %div3A_26, %sub3A_46 : i32
    %select_n3A_48 = arith.select %and3A_45, %sub3A_47, %div3A_26 : i32
    %mul3A_49 = arith.constant 128 : i32
    %mul3A_50 = arith.muli %select_n3A_48, %mul3A_49 : i32
    %sub3A_51 = arith.subi %mul3A_50, %mul3A_20 : i32
    %dma_start3A = arith.constant 0 : i32
    %dma_start3A_52 = tpu.memref_slice %arg3[%dma_start3A, %mul3A_20] : memref<2x320000xi32, #tpu.memory_space<hbm>> -> memref<2x10112xi32, #tpu.memory_space<hbm>>
    %dma_start3A_53 = arith.constant 0 : i32
    %dma_start3A_54 = tpu.memref_slice %arg3[%dma_start3A_53, %mul3A_20] : memref<2x320000xi32, #tpu.memory_space<hbm>> -> memref<2x10112xi32, #tpu.memory_space<hbm>>
    tpu.enqueue_dma source(%dma_start3A_54 : memref<2x10112xi32, #tpu.memory_space<hbm>>) target(%arg7 : memref<2x10112xi32, #tpu.memory_space<vmem>>) target_semaphore(%arg10 : memref<!tpu.dma_semaphore, #tpu.memory_space<semaphore_mem>>)
    "tpu.trace_start"() <{level = 10 : i32, message = "tab_spmem"}> : () -> ()
    %eq3A = arith.constant 0 : i32
    %eq3A_55 = arith.cmpi eq, %arg1, %eq3A : i32
    %convert_element_type3A = arith.extui %eq3A_55 : i1 to i32
    %cond3A = arith.constant 0 : i32
    %cond3A_56 = arith.cmpi ne, %convert_element_type3A, %cond3A : i32
    scf.if %cond3A_56 {
      "tpu.region"() ({
        %run_scoped3A = tpu.sem_alloc : memref<!tpu.dma_semaphore, #tpu.memory_space<semaphore_mem>>
        tpu.enqueue_dma source(%arg2 : memref<40000xf32, #tpu.memory_space<hbm>>) target(%arg5 : memref<40000xf32, #tpu.memory_space<vmem_shared>>) target_semaphore(%run_scoped3A : memref<!tpu.dma_semaphore, #tpu.memory_space<semaphore_mem>>)
        tpu.wait_dma2 semaphore(%run_scoped3A : memref<!tpu.dma_semaphore, #tpu.memory_space<semaphore_mem>>) src(%arg2 : memref<40000xf32, #tpu.memory_space<hbm>>) dst(%arg5 : memref<40000xf32, #tpu.memory_space<vmem_shared>>)
        tpu.yield
      }) : () -> ()
    } else {
    }
    %barrier3A = arith.constant 0 : index
    tpu.barrier barrier_id(%barrier3A)
    "tpu.trace_stop"() : () -> ()
    "tpu.trace_start"() <{level = 10 : i32, message = "in_dma"}> : () -> ()
    tpu.enqueue_dma source(%arg5 : memref<40000xf32, #tpu.memory_space<vmem_shared>>) target(%arg6 : memref<40000xf32, #tpu.memory_space<vmem>>) target_semaphore(%arg9 : memref<!tpu.dma_semaphore, #tpu.memory_space<semaphore_mem>>)
    tpu.wait_dma2 semaphore(%arg9 : memref<!tpu.dma_semaphore, #tpu.memory_space<semaphore_mem>>) src(%arg5 : memref<40000xf32, #tpu.memory_space<vmem_shared>>) dst(%arg6 : memref<40000xf32, #tpu.memory_space<vmem>>)
    %dma_wait3A = arith.constant 0 : i32
    %dma_wait3A_57 = tpu.memref_slice %arg3[%dma_wait3A, %mul3A_20] : memref<2x320000xi32, #tpu.memory_space<hbm>> -> memref<2x10112xi32, #tpu.memory_space<hbm>>
    %dma_wait3A_58 = arith.constant 0 : i32
    %dma_wait3A_59 = tpu.memref_slice %arg3[%dma_wait3A_58, %mul3A_20] : memref<2x320000xi32, #tpu.memory_space<hbm>> -> memref<2x10112xi32, #tpu.memory_space<hbm>>
    tpu.wait_dma2 semaphore(%arg10 : memref<!tpu.dma_semaphore, #tpu.memory_space<semaphore_mem>>) src(%dma_wait3A_59 : memref<2x10112xi32, #tpu.memory_space<hbm>>) dst(%arg7 : memref<2x10112xi32, #tpu.memory_space<vmem>>)
    %parallel_loop3A = arith.constant 0 : i32
    %parallel_loop3A_60 = arith.constant 4992 : i32
    %parallel_loop3A_61 = arith.constant 16 : i32
    "tpu.trace_stop"() : () -> ()
    "tpu.trace_start"() <{level = 10 : i32, message = "loop1"}> : () -> ()
    scf.for %parallel_loop3A_91 = %parallel_loop3A to %parallel_loop3A_60 step %parallel_loop3A_61  : i32 {
      %parallel_loop3A_92 = arith.constant 0 : i32
      %parallel_loop3A_93 = arith.index_cast %parallel_loop3A_92 : i32 to index
      %parallel_loop3A_94 = arith.index_cast %parallel_loop3A_91 : i32 to index
      %parallel_loop3A_95 = tpu.vector_load %arg7[%parallel_loop3A_93, %parallel_loop3A_94] {strides = array<i32>} : memref<2x10112xi32, #tpu.memory_space<vmem>>, vector<16xi32>,
      %parallel_loop3A_96 = arith.constant 1 : i32
      %parallel_loop3A_97 = arith.index_cast %parallel_loop3A_96 : i32 to index
      %parallel_loop3A_98 = arith.index_cast %parallel_loop3A_91 : i32 to index
      %parallel_loop3A_99 = tpu.vector_load %arg7[%parallel_loop3A_97, %parallel_loop3A_98] {strides = array<i32>} : memref<2x10112xi32, #tpu.memory_space<vmem>>, vector<16xi32>,
      %parallel_loop3A_100 = tpu.vector_load_idx %arg6[%parallel_loop3A_95] : memref<40000xf32, #tpu.memory_space<vmem>>[vector<16xi32>], vector<16xf32>,
      %parallel_loop3A_101 = arith.constant 10000 : i32
      %parallel_loop3A_102 = vector.broadcast %parallel_loop3A_101 : i32 to vector<16xi32>
      %parallel_loop3A_103 = arith.addi %parallel_loop3A_95, %parallel_loop3A_102 : vector<16xi32>
      %parallel_loop3A_104 = tpu.vector_load_idx %arg6[%parallel_loop3A_103] : memref<40000xf32, #tpu.memory_space<vmem>>[vector<16xi32>], vector<16xf32>,
      %parallel_loop3A_105 = arith.constant 20000 : i32
      %parallel_loop3A_106 = vector.broadcast %parallel_loop3A_105 : i32 to vector<16xi32>
      %parallel_loop3A_107 = arith.addi %parallel_loop3A_99, %parallel_loop3A_106 : vector<16xi32>
      %parallel_loop3A_108 = tpu.vector_load_idx %arg6[%parallel_loop3A_107] : memref<40000xf32, #tpu.memory_space<vmem>>[vector<16xi32>], vector<16xf32>,
      %parallel_loop3A_109 = arith.constant 30000 : i32
      %parallel_loop3A_110 = vector.broadcast %parallel_loop3A_109 : i32 to vector<16xi32>
      %parallel_loop3A_111 = arith.addi %parallel_loop3A_99, %parallel_loop3A_110 : vector<16xi32>
      %parallel_loop3A_112 = tpu.vector_load_idx %arg6[%parallel_loop3A_111] : memref<40000xf32, #tpu.memory_space<vmem>>[vector<16xi32>], vector<16xf32>,
      %parallel_loop3A_113 = arith.addf %parallel_loop3A_100, %parallel_loop3A_108 : vector<16xf32>
      %parallel_loop3A_114 = arith.constant 0 : i32
      %parallel_loop3A_115 = arith.index_cast %parallel_loop3A_114 : i32 to index
      %parallel_loop3A_116 = arith.index_cast %parallel_loop3A_91 : i32 to index
      %parallel_loop3A_117 = tpu.vector_load %arg8[%parallel_loop3A_115, %parallel_loop3A_116] {strides = array<i32>} : memref<2x10112xf32, #tpu.memory_space<vmem>>, vector<16xf32>,
      tpu.vector_store %arg8[%parallel_loop3A_115, %parallel_loop3A_116], %parallel_loop3A_113 {strides = array<i32>} : memref<2x10112xf32, #tpu.memory_space<vmem>>, vector<16xf32>,
      %parallel_loop3A_118 = arith.addf %parallel_loop3A_104, %parallel_loop3A_112 : vector<16xf32>
      %parallel_loop3A_119 = arith.constant 1 : i32
      %parallel_loop3A_120 = arith.index_cast %parallel_loop3A_119 : i32 to index
      %parallel_loop3A_121 = arith.index_cast %parallel_loop3A_91 : i32 to index
      %parallel_loop3A_122 = tpu.vector_load %arg8[%parallel_loop3A_120, %parallel_loop3A_121] {strides = array<i32>} : memref<2x10112xf32, #tpu.memory_space<vmem>>, vector<16xf32>,
      tpu.vector_store %arg8[%parallel_loop3A_120, %parallel_loop3A_121], %parallel_loop3A_118 {strides = array<i32>} : memref<2x10112xf32, #tpu.memory_space<vmem>>, vector<16xf32>,
    } {sc.loop_unroll_factor = 4 : i64, sc.parallel_access}
    "tpu.trace_stop"() : () -> ()
    %dma_start3A_62 = arith.constant 0 : i32
    %dma_start3A_63 = arith.constant 0 : i32
    %dma_start3A_64 = tpu.memref_slice %arg8[%dma_start3A_62, %dma_start3A_63] : memref<2x10112xf32, #tpu.memory_space<vmem>> -> memref<2x4992xf32, #tpu.memory_space<vmem>>
    %dma_start3A_65 = arith.constant 0 : i32
    %dma_start3A_66 = tpu.memref_slice %arg4[%dma_start3A_65, %mul3A_20] : memref<2x320000xf32, #tpu.memory_space<hbm>> -> memref<2x4992xf32, #tpu.memory_space<hbm>>
    %dma_start3A_67 = arith.constant 0 : i32
    %dma_start3A_68 = tpu.memref_slice %arg4[%dma_start3A_67, %mul3A_20] : memref<2x320000xf32, #tpu.memory_space<hbm>> -> memref<2x4992xf32, #tpu.memory_space<hbm>>
    %dma_start3A_69 = arith.constant 0 : i32
    %dma_start3A_70 = arith.constant 0 : i32
    %dma_start3A_71 = tpu.memref_slice %arg8[%dma_start3A_69, %dma_start3A_70] : memref<2x10112xf32, #tpu.memory_space<vmem>> -> memref<2x4992xf32, #tpu.memory_space<vmem>>
    tpu.enqueue_dma source(%dma_start3A_71 : memref<2x4992xf32, #tpu.memory_space<vmem>>) target(%dma_start3A_68 : memref<2x4992xf32, #tpu.memory_space<hbm>>) target_semaphore(%arg11 : memref<!tpu.dma_semaphore, #tpu.memory_space<semaphore_mem>>)
    %parallel_loop3A_72 = arith.constant 4992 : i32
    %parallel_loop3A_73 = arith.constant 16 : i32
    "tpu.trace_start"() <{level = 10 : i32, message = "loop2"}> : () -> ()
    scf.for %parallel_loop3A_91 = %parallel_loop3A_72 to %sub3A_51 step %parallel_loop3A_73  : i32 {
      %parallel_loop3A_92 = arith.constant 0 : i32
      %parallel_loop3A_93 = arith.index_cast %parallel_loop3A_92 : i32 to index
      %parallel_loop3A_94 = arith.index_cast %parallel_loop3A_91 : i32 to index
      %parallel_loop3A_95 = tpu.vector_load %arg7[%parallel_loop3A_93, %parallel_loop3A_94] {strides = array<i32>} : memref<2x10112xi32, #tpu.memory_space<vmem>>, vector<16xi32>,
      %parallel_loop3A_96 = arith.constant 1 : i32
      %parallel_loop3A_97 = arith.index_cast %parallel_loop3A_96 : i32 to index
      %parallel_loop3A_98 = arith.index_cast %parallel_loop3A_91 : i32 to index
      %parallel_loop3A_99 = tpu.vector_load %arg7[%parallel_loop3A_97, %parallel_loop3A_98] {strides = array<i32>} : memref<2x10112xi32, #tpu.memory_space<vmem>>, vector<16xi32>,
      %parallel_loop3A_100 = tpu.vector_load_idx %arg6[%parallel_loop3A_95] : memref<40000xf32, #tpu.memory_space<vmem>>[vector<16xi32>], vector<16xf32>,
      %parallel_loop3A_101 = arith.constant 10000 : i32
      %parallel_loop3A_102 = vector.broadcast %parallel_loop3A_101 : i32 to vector<16xi32>
      %parallel_loop3A_103 = arith.addi %parallel_loop3A_95, %parallel_loop3A_102 : vector<16xi32>
      %parallel_loop3A_104 = tpu.vector_load_idx %arg6[%parallel_loop3A_103] : memref<40000xf32, #tpu.memory_space<vmem>>[vector<16xi32>], vector<16xf32>,
      %parallel_loop3A_105 = arith.constant 20000 : i32
      %parallel_loop3A_106 = vector.broadcast %parallel_loop3A_105 : i32 to vector<16xi32>
      %parallel_loop3A_107 = arith.addi %parallel_loop3A_99, %parallel_loop3A_106 : vector<16xi32>
      %parallel_loop3A_108 = tpu.vector_load_idx %arg6[%parallel_loop3A_107] : memref<40000xf32, #tpu.memory_space<vmem>>[vector<16xi32>], vector<16xf32>,
      %parallel_loop3A_109 = arith.constant 30000 : i32
      %parallel_loop3A_110 = vector.broadcast %parallel_loop3A_109 : i32 to vector<16xi32>
      %parallel_loop3A_111 = arith.addi %parallel_loop3A_99, %parallel_loop3A_110 : vector<16xi32>
      %parallel_loop3A_112 = tpu.vector_load_idx %arg6[%parallel_loop3A_111] : memref<40000xf32, #tpu.memory_space<vmem>>[vector<16xi32>], vector<16xf32>,
      %parallel_loop3A_113 = arith.addf %parallel_loop3A_100, %parallel_loop3A_108 : vector<16xf32>
      %parallel_loop3A_114 = arith.constant 0 : i32
      %parallel_loop3A_115 = arith.index_cast %parallel_loop3A_114 : i32 to index
      %parallel_loop3A_116 = arith.index_cast %parallel_loop3A_91 : i32 to index
      %parallel_loop3A_117 = tpu.vector_load %arg8[%parallel_loop3A_115, %parallel_loop3A_116] {strides = array<i32>} : memref<2x10112xf32, #tpu.memory_space<vmem>>, vector<16xf32>,
      tpu.vector_store %arg8[%parallel_loop3A_115, %parallel_loop3A_116], %parallel_loop3A_113 {strides = array<i32>} : memref<2x10112xf32, #tpu.memory_space<vmem>>, vector<16xf32>,
      %parallel_loop3A_118 = arith.addf %parallel_loop3A_104, %parallel_loop3A_112 : vector<16xf32>
      %parallel_loop3A_119 = arith.constant 1 : i32
      %parallel_loop3A_120 = arith.index_cast %parallel_loop3A_119 : i32 to index
      %parallel_loop3A_121 = arith.index_cast %parallel_loop3A_91 : i32 to index
      %parallel_loop3A_122 = tpu.vector_load %arg8[%parallel_loop3A_120, %parallel_loop3A_121] {strides = array<i32>} : memref<2x10112xf32, #tpu.memory_space<vmem>>, vector<16xf32>,
      tpu.vector_store %arg8[%parallel_loop3A_120, %parallel_loop3A_121], %parallel_loop3A_118 {strides = array<i32>} : memref<2x10112xf32, #tpu.memory_space<vmem>>, vector<16xf32>,
    } {sc.loop_unroll_factor = 4 : i64, sc.parallel_access}
    "tpu.trace_stop"() : () -> ()
    %add3A_74 = arith.constant 4992 : i32
    %add3A_75 = arith.addi %mul3A_20, %add3A_74 : i32
    "tpu.region"() ({
      %run_scoped3A = tpu.sem_alloc : memref<!tpu.dma_semaphore, #tpu.memory_space<semaphore_mem>>
      %dma_start3A_91 = arith.constant 0 : i32
      %dma_start3A_92 = arith.constant 4992 : i32
      %dma_start3A_93 = tpu.memref_slice %arg8[%dma_start3A_91, %dma_start3A_92] : memref<2x10112xf32, #tpu.memory_space<vmem>> -> memref<2x4992xf32, #tpu.memory_space<vmem>>
      %dma_start3A_94 = arith.constant 0 : i32
      %dma_start3A_95 = tpu.memref_slice %arg4[%dma_start3A_94, %add3A_75] : memref<2x320000xf32, #tpu.memory_space<hbm>> -> memref<2x4992xf32, #tpu.memory_space<hbm>>
      %dma_start3A_96 = arith.constant 0 : i32
      %dma_start3A_97 = tpu.memref_slice %arg4[%dma_start3A_96, %add3A_75] : memref<2x320000xf32, #tpu.memory_space<hbm>> -> memref<2x4992xf32, #tpu.memory_space<hbm>>
      %dma_start3A_98 = arith.constant 0 : i32
      %dma_start3A_99 = arith.constant 4992 : i32
      %dma_start3A_100 = tpu.memref_slice %arg8[%dma_start3A_98, %dma_start3A_99] : memref<2x10112xf32, #tpu.memory_space<vmem>> -> memref<2x4992xf32, #tpu.memory_space<vmem>>
      tpu.enqueue_dma source(%dma_start3A_100 : memref<2x4992xf32, #tpu.memory_space<vmem>>) target(%dma_start3A_97 : memref<2x4992xf32, #tpu.memory_space<hbm>>) target_semaphore(%run_scoped3A : memref<!tpu.dma_semaphore, #tpu.memory_space<semaphore_mem>>)
      %dma_wait3A_101 = arith.constant 0 : i32
      %dma_wait3A_102 = arith.constant 4992 : i32
      %dma_wait3A_103 = tpu.memref_slice %arg8[%dma_wait3A_101, %dma_wait3A_102] : memref<2x10112xf32, #tpu.memory_space<vmem>> -> memref<2x4992xf32, #tpu.memory_space<vmem>>
      %dma_wait3A_104 = arith.constant 0 : i32
      %dma_wait3A_105 = tpu.memref_slice %arg4[%dma_wait3A_104, %add3A_75] : memref<2x320000xf32, #tpu.memory_space<hbm>> -> memref<2x4992xf32, #tpu.memory_space<hbm>>
      %dma_wait3A_106 = arith.constant 0 : i32
      %dma_wait3A_107 = tpu.memref_slice %arg4[%dma_wait3A_106, %add3A_75] : memref<2x320000xf32, #tpu.memory_space<hbm>> -> memref<2x4992xf32, #tpu.memory_space<hbm>>
      %dma_wait3A_108 = arith.constant 0 : i32
      %dma_wait3A_109 = arith.constant 4992 : i32
      %dma_wait3A_110 = tpu.memref_slice %arg8[%dma_wait3A_108, %dma_wait3A_109] : memref<2x10112xf32, #tpu.memory_space<vmem>> -> memref<2x4992xf32, #tpu.memory_space<vmem>>
      tpu.wait_dma2 semaphore(%run_scoped3A : memref<!tpu.dma_semaphore, #tpu.memory_space<semaphore_mem>>) src(%dma_wait3A_110 : memref<2x4992xf32, #tpu.memory_space<vmem>>) dst(%dma_wait3A_107 : memref<2x4992xf32, #tpu.memory_space<hbm>>)
      tpu.yield
    }) : () -> ()
    %eq3A_76 = arith.constant 10112 : i32
    %eq3A_77 = arith.cmpi eq, %sub3A_51, %eq3A_76 : i32
    %convert_element_type3A_78 = arith.extui %eq3A_77 : i1 to i32
    %cond3A_79 = arith.constant 0 : i32
    %cond3A_80 = arith.cmpi ne, %convert_element_type3A_78, %cond3A_79 : i32
    scf.if %cond3A_80 {
      %add3A_91 = arith.constant 9984 : i32
      %add3A_92 = arith.addi %mul3A_20, %add3A_91 : i32
      "tpu.region"() ({
        %run_scoped3A = tpu.sem_alloc : memref<!tpu.dma_semaphore, #tpu.memory_space<semaphore_mem>>
        %dma_start3A_93 = arith.constant 0 : i32
        %dma_start3A_94 = arith.constant 9984 : i32
        %dma_start3A_95 = tpu.memref_slice %arg8[%dma_start3A_93, %dma_start3A_94] : memref<2x10112xf32, #tpu.memory_space<vmem>> -> memref<2x128xf32, #tpu.memory_space<vmem>>
        %dma_start3A_96 = arith.constant 0 : i32
        %dma_start3A_97 = tpu.memref_slice %arg4[%dma_start3A_96, %add3A_92] : memref<2x320000xf32, #tpu.memory_space<hbm>> -> memref<2x128xf32, #tpu.memory_space<hbm>>
        %dma_start3A_98 = arith.constant 0 : i32
        %dma_start3A_99 = tpu.memref_slice %arg4[%dma_start3A_98, %add3A_92] : memref<2x320000xf32, #tpu.memory_space<hbm>> -> memref<2x128xf32, #tpu.memory_space<hbm>>
        %dma_start3A_100 = arith.constant 0 : i32
        %dma_start3A_101 = arith.constant 9984 : i32
        %dma_start3A_102 = tpu.memref_slice %arg8[%dma_start3A_100, %dma_start3A_101] : memref<2x10112xf32, #tpu.memory_space<vmem>> -> memref<2x128xf32, #tpu.memory_space<vmem>>
        tpu.enqueue_dma source(%dma_start3A_102 : memref<2x128xf32, #tpu.memory_space<vmem>>) target(%dma_start3A_99 : memref<2x128xf32, #tpu.memory_space<hbm>>) target_semaphore(%run_scoped3A : memref<!tpu.dma_semaphore, #tpu.memory_space<semaphore_mem>>)
        %dma_wait3A_103 = arith.constant 0 : i32
        %dma_wait3A_104 = arith.constant 9984 : i32
        %dma_wait3A_105 = tpu.memref_slice %arg8[%dma_wait3A_103, %dma_wait3A_104] : memref<2x10112xf32, #tpu.memory_space<vmem>> -> memref<2x128xf32, #tpu.memory_space<vmem>>
        %dma_wait3A_106 = arith.constant 0 : i32
        %dma_wait3A_107 = tpu.memref_slice %arg4[%dma_wait3A_106, %add3A_92] : memref<2x320000xf32, #tpu.memory_space<hbm>> -> memref<2x128xf32, #tpu.memory_space<hbm>>
        %dma_wait3A_108 = arith.constant 0 : i32
        %dma_wait3A_109 = tpu.memref_slice %arg4[%dma_wait3A_108, %add3A_92] : memref<2x320000xf32, #tpu.memory_space<hbm>> -> memref<2x128xf32, #tpu.memory_space<hbm>>
        %dma_wait3A_110 = arith.constant 0 : i32
        %dma_wait3A_111 = arith.constant 9984 : i32
        %dma_wait3A_112 = tpu.memref_slice %arg8[%dma_wait3A_110, %dma_wait3A_111] : memref<2x10112xf32, #tpu.memory_space<vmem>> -> memref<2x128xf32, #tpu.memory_space<vmem>>
        tpu.wait_dma2 semaphore(%run_scoped3A : memref<!tpu.dma_semaphore, #tpu.memory_space<semaphore_mem>>) src(%dma_wait3A_112 : memref<2x128xf32, #tpu.memory_space<vmem>>) dst(%dma_wait3A_109 : memref<2x128xf32, #tpu.memory_space<hbm>>)
        tpu.yield
      }) : () -> ()
    } else {
    }
    "tpu.trace_start"() <{level = 10 : i32, message = "out_drain"}> : () -> ()
    %dma_wait3A_81 = arith.constant 0 : i32
    %dma_wait3A_82 = arith.constant 0 : i32
    %dma_wait3A_83 = tpu.memref_slice %arg8[%dma_wait3A_81, %dma_wait3A_82] : memref<2x10112xf32, #tpu.memory_space<vmem>> -> memref<2x4992xf32, #tpu.memory_space<vmem>>
    %dma_wait3A_84 = arith.constant 0 : i32
    %dma_wait3A_85 = tpu.memref_slice %arg4[%dma_wait3A_84, %mul3A_20] : memref<2x320000xf32, #tpu.memory_space<hbm>> -> memref<2x4992xf32, #tpu.memory_space<hbm>>
    %dma_wait3A_86 = arith.constant 0 : i32
    %dma_wait3A_87 = tpu.memref_slice %arg4[%dma_wait3A_86, %mul3A_20] : memref<2x320000xf32, #tpu.memory_space<hbm>> -> memref<2x4992xf32, #tpu.memory_space<hbm>>
    %dma_wait3A_88 = arith.constant 0 : i32
    %dma_wait3A_89 = arith.constant 0 : i32
    %dma_wait3A_90 = tpu.memref_slice %arg8[%dma_wait3A_88, %dma_wait3A_89] : memref<2x10112xf32, #tpu.memory_space<vmem>> -> memref<2x4992xf32, #tpu.memory_space<vmem>>
    tpu.wait_dma2 semaphore(%arg11 : memref<!tpu.dma_semaphore, #tpu.memory_space<semaphore_mem>>) src(%dma_wait3A_90 : memref<2x4992xf32, #tpu.memory_space<vmem>>) dst(%dma_wait3A_87 : memref<2x4992xf32, #tpu.memory_space<hbm>>)
    "tpu.trace_stop"() : () -> ()
    return
  }
}

module attributes {stable_mosaic.version = 14 : i64} {
  func.func @_table_body(%arg0: memref<2x256xf32, #tpu.memory_space<vmem>>, %arg1: memref<10000x128xf32, #tpu.memory_space<vmem>>, %arg2: memref<2x1xf32, #tpu.memory_space<vmem>>, %arg3: memref<4x10000xf32, #tpu.memory_space<vmem>>) attributes {dimension_semantics = [], scalar_prefetch = 0 : i64, scratch_operands = 0 : i64, tpu.core_type = #tpu.core_type<tc>} {
    %get3A = arith.constant 0 : index
    %get3A_0 = arith.constant 0 : index
    %get3A_1 = vector.load %arg0[%get3A, %get3A_0] : memref<2x256xf32, #tpu.memory_space<vmem>>, vector<2x256xf32>
    %slice3A = vector.extract_strided_slice %get3A_1 {offsets = [0, 0], sizes = [2, 128], strides = [1, 1]} : vector<2x256xf32> to vector<2x128xf32>
    %slice3A_2 = vector.extract_strided_slice %get3A_1 {offsets = [0, 128], sizes = [2, 128], strides = [1, 1]} : vector<2x256xf32> to vector<2x128xf32>
    %concatenate3A = tpu.concatenate %slice3A, %slice3A_2 in 0 : vector<2x128xf32>, vector<2x128xf32> -> vector<4x128xf32>
    %get3A_3 = arith.constant 0 : index
    %get3A_4 = arith.constant 0 : index
    %get3A_5 = vector.load %arg2[%get3A_3, %get3A_4] : memref<2x1xf32, #tpu.memory_space<vmem>>, vector<2x1xf32>
    %broadcast_in_dim3A = arith.constant 0.000000e+00 : f32
    %broadcast_in_dim3A_6 = vector.broadcast %broadcast_in_dim3A : f32 to vector<2x1xf32>
    %concatenate3A_7 = tpu.concatenate %get3A_5, %broadcast_in_dim3A_6 in 0 : vector<2x1xf32>, vector<2x1xf32> -> vector<4x1xf32>
    %get3A_8 = arith.constant 0 : index
    %get3A_9 = arith.constant 0 : index
    %get3A_10 = vector.load %arg1[%get3A_8, %get3A_9] : memref<10000x128xf32, #tpu.memory_space<vmem>>, vector<10000x128xf32>
    %dot_general3A = arith.constant dense<0.000000e+00> : vector<4x10000xf32>
    %dot_general3A_11 = tpu.matmul %concatenate3A, %get3A_10, %dot_general3A {dimension_numbers = #tpu.dot_dimension_numbers<[1], [1], [0], [0], [0, 0, 1, 0], [], []>, transpose_lhs_hint = false} : vector<4x128xf32>, vector<10000x128xf32>, vector<4x10000xf32> -> vector<4x10000xf32>
    %add3A = vector.broadcast %concatenate3A_7 : vector<4x1xf32> to vector<4x10000xf32>
    %add3A_12 = arith.addf %dot_general3A_11, %add3A : vector<4x10000xf32>
    %swap3A = arith.constant 0 : index
    %swap3A_13 = arith.constant 0 : index
    %swap3A_14 = vector.load %arg3[%swap3A, %swap3A_13] : memref<4x10000xf32, #tpu.memory_space<vmem>>, vector<4x10000xf32>
    tpu.vector_store %arg3[%swap3A, %swap3A_13], %add3A_12 {strides = array<i32>} : memref<4x10000xf32, #tpu.memory_space<vmem>>, vector<4x10000xf32>,
    return
  }
}

</mosaic_0001>

<sc_bundles>
// kernel: kernel.4.cloned.1.call-start
scs
__scs_entry_jumppad:
0x0: {  	(pc) =	sbr.rel $0x88, $3  }
0x1: {  	(tag) =	ssettag $0x0;
	lr =	simm.s32 $0x1  }
0x2: {  	[smem:$0x3F9D] =	sst lr;
	_ =	strace $0xD0000000  }
0x3: {  	_ = 	snop  }
0x4: {  	_ = 	snop  }
0x5: {  	_ = 	snop  }
0x6: {  	_ = 	snop  }
0x7: {  	_ = 	snop  }
__scs_overlays_trampoline_lowered:
0x8: {  	[smem:$0x3FAC] =	sst s0  }
0x9: {  	[smem:$0x3FAD] =	sst s1  }
0xa: {  	[smem:$0x3FAE] =	sst s2  }
0xb: {  	[smem:$0x3FAF] =	sst s3  }
0xc: {  	[smem:$0x3FB0] =	sst s4  }
0xd: {  	[smem:$0x3FB1] =	sst s5  }
0xe: {  	[smem:$0x3FB2] =	sst s6  }
0xf: {  	[smem:$0x3FB3] =	sst s7  }
0x10: {  	[smem:$0x3FB4] =	sst s8  }
0x11: {  	[smem:$0x3FB5] =	sst s9;
	s0 =	simm.s32 @!p0 $0x0  }
0x12: {  	s1 =	sld [smem:$0x3F9B];
	s0 =	simm.s32 @p0 $0x1  }
0x13: {  	[smem:$0x3FB6] =	sst s0;
	s0 =	simm.s32 @!p1 $0x0  }
0x14: {  	s2 =	sld [smem:$0x3F9A];
	s0 =	simm.s32 @p1 $0x1  }
0x15: {  	[smem:$0x3FB7] =	sst s0;
	s0 =	simm.s32 @!p2 $0x0  }
0x16: {  	s3 =	sld [smem:$0x3FDB];
	s0 =	simm.s32 @p2 $0x1  }
0x17: {  	s4 =	simm.s32 $0x1BF5;
	[smem:$0x3FB9] =	sst s0  }
0x18: {  	s0 =	sld [smem:$0x3F9C];
	_ =	swait.ge [sflag:s4], $0x0  }
0x19: {  	s7 =	sld [smem:$0x3F9D]  }
0x1a: {  	s8 =	sadd.s32 $0xFFFFE003, lr  }
0x1b: {  	s9 =	sadd.s32 $0xFFFFFEF7, lr;
	s5 =	simm.s32 $0xFFFFFFFF;
	p2 =	slt.u32 s8, $0xFFFFF086  }
0x1c: {  	p1 =	slt.u32 s9, $0xF7A;
	s5 =	simm.s32 @!p2 $0x0  }
0x1d: {  	s5 =	simm.s32 @p1 $0x1;
	p0 =	seq.s32 s7, s2  }
0x1e: {  	s7 =	smul.u32 @!p0 $0xF7A, s2;
	p2 =	seq.s32 @!p0 s5, $0x0  }
0x1f: {  	s9 =	smul.u32 $0xF7A, s1;
	s8 =	simm.s32 @!p0 $0x1BF5;
	p2 =	por !p2, p0  }
0x20: {  	[sflag:s8] =	ssyncset.s32 @!p0 $0xFFFFF086;
	s6 =	sadd.s32 @!p0 s3, s7;
	s7 =	simm.s32 @!p0 $0x108  }
0x21: {  	s3 =	sadd.s32 s3, s9;
	s6 =	sadd.s32 @!p0 $0x88, s6;
	s7 =	simm.s32 @p2 $0x1082  }
0x22: {  	[simem:s7], [sflag:s8] =	dma.local @!p0 [hbm:s6], $0xF7A  }
0x23: {  	s9 =	sor.u32 $0xD0000000, s2;
	s6 =	simm.s32 $0x108;
	_ =	swait.ge @!p0 [sflag:s8], $0x0  }
0x24: {  	s3 =	sadd.s32 $0x88, s3;
	s6 =	simm.s32 @!p1 $0x1082;
	[sflag:s4] =	ssyncset.s32 $0xFFFFF086  }
0x25: {  	[simem:s6], [sflag:s4] =	dma.local [hbm:s3], $0xF7A  }
0x26: {  	[smem:$0x3F9D] =	sst s1;
	(tag) =	ssettag s2;
	_ =	strace s9  }
0x27: {  	s1 =	sld [smem:$0x3FAD]  }
0x28: {  	s2 =	sld [smem:$0x3FAE]  }
0x29: {  	s4 =	sld [smem:$0x3FB0]  }
0x2a: {  	p0 =	seq.s32 s5, $0x0;
	s5 =	sld [smem:$0x3FB1]  }
0x2b: {  	s6 =	sld [smem:$0x3FB2]  }
0x2c: {  	s7 =	sld [smem:$0x3FB3]  }
0x2d: {  	s3 =	simm.s32 $0x108;
	s8 =	sld [smem:$0x3FB4]  }
0x2e: {  	s3 =	simm.s32 @!p0 $0x1082;
	s9 =	sld [smem:$0x3FB5]  }
0x2f: {  	lr =	sadd.s32 s0, s3;
	s0 =	sld [smem:$0x3FAC]  }
0x30: {  	s3 =	sld [smem:$0x3FAF]  }
0x31: {  	[smem:$0x3FB8] =	sst s10  }
0x32: {  	s10 =	sld [smem:$0x3FB6];
	_ =	sdelay $0x3  }
0x33: {  	p0 =	seq.s32 s10, $0x1;
	s10 =	sld [smem:$0x3FB8];
	_ =	sdelay $0x3  }
0x34: {  	[smem:$0x3FB8] =	sst s10  }
0x35: {  	s10 =	sld [smem:$0x3FB7];
	_ =	sdelay $0x3  }
0x36: {  	p1 =	seq.s32 s10, $0x1;
	s10 =	sld [smem:$0x3FB8];
	_ =	sdelay $0x3  }
0x37: {  	[smem:$0x3FB8] =	sst s10  }
0x38: {  	s10 =	sld [smem:$0x3FB9]  }
0x39: {  	_ = 	snop;
	(pc) =	sbr.ind lr, $3  }
0x3a: {  	_ = 	snop  }
0x3b: {  	_ = 	snop  }
0x3c: {  	p2 =	seq.s32 s10, $0x1;
	s10 =	sld [smem:$0x3FB8]  }
0x3d: {  	_ =	shalt  }
0x3e: {  	_ =	shalt  }
0x3f: {  	_ =	shalt  }
0x40: {  	_ =	shalt  }
0x41: {  	_ =	shalt  }
0x42: {  	_ =	shalt  }
0x43: {  	_ =	shalt  }
0x44: {  	_ =	shalt  }
0x45: {  	_ =	shalt  }
0x46: {  	_ =	shalt  }
0x47: {  	_ =	shalt  }
0x48: {  	_ =	shalt  }
0x49: {  	_ =	shalt  }
0x4a: {  	_ =	shalt  }
0x4b: {  	_ =	shalt  }
0x4c: {  	_ =	shalt  }
0x4d: {  	_ =	shalt  }
0x4e: {  	_ =	shalt  }
0x4f: {  	_ =	shalt  }
0x50: {  	_ =	shalt  }
0x51: {  	_ =	shalt  }
0x52: {  	_ =	shalt  }
0x53: {  	_ =	shalt  }
0x54: {  	_ =	shalt  }
0x55: {  	_ =	shalt  }
0x56: {  	_ =	shalt  }
0x57: {  	_ =	shalt  }
0x58: {  	_ =	shalt  }
0x59: {  	_ =	shalt  }
0x5a: {  	_ =	shalt  }
0x5b: {  	_ =	shalt  }
0x5c: {  	_ =	shalt  }
0x5d: {  	_ =	shalt  }
0x5e: {  	_ =	shalt  }
0x5f: {  	_ =	shalt  }
0x60: {  	_ =	shalt  }
0x61: {  	_ =	shalt  }
0x62: {  	_ =	shalt  }
0x63: {  	_ =	shalt  }
0x64: {  	_ =	shalt  }
0x65: {  	_ =	shalt  }
0x66: {  	_ =	shalt  }
0x67: {  	_ =	shalt  }
0x68: {  	_ =	shalt  }
0x69: {  	_ =	shalt  }
0x6a: {  	_ =	shalt  }
0x6b: {  	_ =	shalt  }
0x6c: {  	_ =	shalt  }
0x6d: {  	_ =	shalt  }
0x6e: {  	_ =	shalt  }
0x6f: {  	_ =	shalt  }
0x70: {  	_ =	shalt  }
0x71: {  	_ =	shalt  }
0x72: {  	_ =	shalt  }
0x73: {  	_ =	shalt  }
0x74: {  	_ =	shalt  }
0x75: {  	_ =	shalt  }
0x76: {  	_ =	shalt  }
0x77: {  	_ =	shalt  }
0x78: {  	_ =	shalt  }
0x79: {  	_ =	shalt  }
0x7a: {  	_ =	shalt  }
0x7b: {  	_ =	shalt  }
0x7c: {  	_ =	shalt  }
0x7d: {  	_ =	shalt  }
0x7e: {  	_ =	shalt  }
0x7f: {  	_ =	shalt  }
0x80: {  	_ =	shalt  }
0x81: {  	_ =	shalt  }
0x82: {  	_ =	shalt  }
0x83: {  	_ =	shalt  }
0x84: {  	_ =	shalt  }
0x85: {  	_ =	shalt  }
0x86: {  	_ =	shalt  }
0x87: {  	_ =	shalt  }
.Lfunc_end0:
.L_simem_size_0:
called_computation_lowered:
.L_overlay_start_0:
0x88: {  	s2 =	sld [smem:$0x3FD9]  }
0x89: {  	s3 =	sld [smem:$0x3FFE];
	_ =	sdelay $0x1  }
0x8a: {  	s1 =	srdreg.scid  }
0x8b: {  	s0 =	sand.u32 $0x1, s1  }
0x8c: {  	s17 =	sshll.u32 s0, $0xA;
	s2 =	sadd.s32 s3, s2  }
0x8d: {  	s2 =	sadd.s32 s2, s17  }
0x8e: {  	[smem:$0x3FC4] =	sst s2  }
0x8f: {  	_ = 	snop  }
0x90: {  	s2 =	sld [smem:$0x3FC8]  }
0x91: {  	s18 =	sld [smem:$0x3FD0];
	(tm) =	ssettm $0x1  }
0x92: {  	s4 =	sld [smem:$0x3FFB];
	_ =	sdelay $0x3  }
0x93: {  	_ =	strace s4  }
0x94: {  	s4 =	sld [smem:$0x3FFC];
	_ =	sdelay $0x3  }
0x95: {  	_ =	strace s4  }
0x96: {  	s4 =	sld [smem:$0x3FFD];
	_ =	sdelay $0x3  }
0x97: {  	_ =	strace s4  }
0x98: {  	_ =	strace $0x8FFFFFFF  }
0x99: {  	s19 =	sld [smem:$0x3FDB];
	_ =	sdelay $0x1  }
0x9a: {  	s5 =	simm.s32 $_scs_section_size  }
0x9b: {  	s6 =	simm.s32 $_size__tile_overlayer_lowered;
	s7 =	simm.s32 $_tile_overlayer_lowered  }
0x9c: {  	s22 =	simm.s32 $0x1BFF;
	s21 =	sshll.u32 s7, $0x1;
	s4 =	sadd.s32 s5, s19  }
0x9d: {  	s8 =	simm.s32 $0x0;
	s20 =	sshll.u32 s6, $0x1;
	s6 =	sadd.s32 s21, s4  }
0x9e: {  	[timem:s8], [sflag:s22] =	dma.local [hbm:s6], s20  }
0x9f: {  	_ =	swait.ge [sflag:s22], s20  }
0xa0: {  	s5 =	ssub.s32 $0x0, s20;
	[sflag:s22] =	ssyncset.done $0x0  }
0xa1: {  	[sflag:s22] =	ssyncadd.s32 s5;
	_ =	sdelay $0x1  }
0xa2: {  	s23 =	simm.s32 $0x1B8B  }
0xa3: {  	_ =	swait.ge [sflag:s23], $0x1  }
0xa4: {  	[sflag:s23] =	ssyncset.done $0x0  }
0xa5: {  	s25 =	simm.s32 $0x1B8E;
	s24 =	sld [smem:$0x3FFE];
	[sflag:s23] =	ssyncadd.s32 $0xFFFFFFFF  }
0xa6: {  	s26 =	simm.s32 $execute0_lowered;
	[smem:$0x3FD2] =	sst s25  }
0xa7: {  	s6 =	sshll.u32 s26, $0x1;
	_ =	strace $0x80000046;
	[dreg:$0x1] =	wrdreg $0xFFFFFFFF  }
0xa8: {  	s28 =	simm.s32 $_size_execute0_lowered;
	s4 =	sadd.s32 s4, s6;
	[dreg:$0x0] =	wrdreg $0x0  }
0xa9: {  	s6 =	sshll.u32 s28, $0x1;
	[dreg:$0x2] =	wrdreg s4  }
0xaa: {  	[dreg:$0x3] =	wrdreg s6  }
0xab: {  	[dreg:$0x4] =	wrdreg $0xC0  }
0xac: {  	_ =	task [dreg:s8], $0x5FFFF  }
0xad: {  	[dreg:$0x1] =	wrdreg $0xFFFFFFFF  }
0xae: {  	[dreg:$0x0] =	wrdreg $0x60  }
0xaf: {  	[dreg:$0x2] =	wrdreg s24  }
0xb0: {  	[dreg:$0x3] =	wrdreg s2  }
0xb1: {  	[dreg:$0x4] =	wrdreg s18  }
0xb2: {  	[dreg:$0x5] =	wrdreg $0x0  }
0xb3: {  	[dreg:$0x6] =	wrdreg $0x9  }
0xb4: {  	_ =	task.clear_ibuf [dreg:s8], $0x7FFFF;
	_ =	strace $0x90000046  }
0xb5: {  	s29 =	simm.s32 $0x9;
	_ =	strace $0x8000004D  }
0xb6: {  	_ =	swait.ge [sflag:s29], $0x1  }
0xb7: {  	[sflag:s29] =	ssyncadd.s32 $0xFFFFFFFF  }
0xb8: {  	_ =	strace $0x9000004D  }
0xb9: {  	_ =	sfence  }
0xba: {  	s30 =	sld [smem:$0x0];
	_ =	sdelay $0x2  }
0xbb: {  	s31 =	sshll.u32 s1, $0xD;
	s1 =	sshrl.u32 s1, $0x2  }
0xbc: {  	s3 =	sand.u32 $0x4000, s31;
	s1 =	sadd.s32 s1, s30  }
0xbd: {  	s0 =	sor.u32 s3, s0;
	s1 =	sshll.u32 s1, $0x11  }
0xbe: {  	s0 =	sor.u32 s1, s0  }
0xbf: {  	s0 =	sadd.s32 $0x8F2B, s0  }
0xc0: {  	[sflag:s0] =	ssyncadd.remote.s32 $0x1  }
0xc1: {  	_ =	sfence.sel $0xFFFF  }
0xc2: {  	[dreg:$0x0] =	wrdreg $0xFFFFFFFF;
	(pc) =	sbr.abs _section_cstart, $3  }
0xc3: {  	[dreg:$0x1] =	wrdreg $0xFFFFFFFF  }
0xc4: {  	_ =	task.clear_ibuf [dreg:s8], $0x2FFFF;
	_ =	strace $0x9FFFFFFF  }
0xc5: {  	(tm) =	ssettm $0x7FFFFFFF  }
tec
execute0_lowered:
.L_overlay_start_1:
0x0: {  	(tag) =	ssettag $0x1  }
0x1: {  	s3 =	rddreg [dreg:$0x0]  }
0x2: {  	s6 =	rddreg [dreg:$0x1]  }
0x3: {  	s4 =	rddreg [dreg:$0x2]  }
0x4: {  	s0 =	srdreg.scid;
	s10 =	stileid.u32  }
0x5: {  	s1 =	rddreg [dreg:$0x3];
	s2 =	simm.s32 $0x0;
	s12 =	simm.s32 $0x9C8  }
0x6: {  	s13 =	simm.s32 $0x1;
	s14 =	simm.s32 $0x2;
	s15 =	simm.s32 $0xF548  }
0x7: {  	s16 =	simm.s32 $0x11C48;
	s17 =	simm.s32 $0x4;
	s18 =	simm.s32 $0x3  }
0x8: {  	s19 =	simm.s32 $0x0;
	s5 =	sand.u32 $0x1, s0;
	s7 =	sshll.u32 s10, $0x1  }
0x9: {  	[smem:$0x7FF] =	sst s2;
	s3 =	sadd.s32 $0x800, s3;
	s7 =	sor.u32 s5, s7  }
0xa: {  	p0 =	sne.s32 s10, $0x0;
	s10 =	simm.s32 $0xA648;
	s7 =	smul.u32 $0x2710, s7  }
0xb: {  	_ =	strace $0x80000047;
	s5 =	ssub.s32 $0x2, s5;
	s11 =	sshrl.u32 @!p0 s1, $0x3  }
.Ltmp0:
0xc: {  	s9 =	sshrl.u32 s5, $0x1;
	s8 =	sshrl.u32 s7, $0x2;
	(pc) =	sbr.rel .LBB2_1-.Ltmp0, $4  }
0xd: {  	s9 =	ssub.s32 s5, s9;
	s7 =	sand.u32 $0x70, s7;
	s8 =	sand.u32 $0x1FFE0, s8  }
0xe: {  	s9 =	smax.u32 s9, $0x1;
	s31 =	sadd.s32 $0x2710, s7;
	s4 =	sadd.s32 s4, s8  }
0xf: {  	s5 =	sand.u32 $0x2780, s31;
	s6 =	sadd.s32 s6, s8;
	s7 =	sadd.s32 $0x4E0, s4  }
0x10: {  	s8 =	sadd.s32 $0x9C0, s4;
	p1 =	slt.s32 s5, $0x1381;
	p2 =	seq.s32 s5, $0x2780  }
.LBB2_6:
0x11: {  	_ =	sdelay $0x3  }
0x12: {  	v2 =	vld.idx.msk [tilespmem:v2+s12+$0x0], $0xffff  }
0x13: {  	v3 =	vld.idx.msk [tilespmem:v3+s12+$0x0], $0xffff  }
0x14: {  	v1 =	vld.idx.msk [tilespmem:v1+s12+$0x0], $0xffff;
	_ =	sdelay $0x1  }
0x15: {  	v11 =	vld.idx.msk [tilespmem:v11+s12+$0x0], $0xffff  }
0x16: {  	v9 =	vld.idx.msk [tilespmem:v9+s12+$0x0], $0xffff;
	v2 =	vadd.f32 v4, v2  }
0x17: {  	[tilespmem:s26+$0xF548] =	vst v12;
	v3 =	vadd.f32 v5, v3  }
0x18: {  	v0 =	vadd.f32 v0, v1;
	[tilespmem:s20+$0xF548] =	vst v2  }
0x19: {  	v61 =	vadd.f32 v6, v10;
	[tilespmem:s20+$0xF558] =	vst v3  }
0x1a: {  	v62 =	vadd.f32 v7, v11;
	[tilespmem:s20+$0xF568] =	vst v0  }
0x1b: {  	v63 =	vadd.f32 v8, v9;
	[tilespmem:s25+$0xF548] =	vst v61  }
0x1c: {  	[tilespmem:s23+$0xF548] =	vst v62  }
0x1d: {  	s1 =	smov.u32 s10;
	s10 =	simm.s32 $0xA648;
	[tilespmem:s24+$0xF548] =	vst v63  }
.LBB2_7:
0x1e: {  	_ =	strace $0x9000004B  }
0x1f: {  	[hbm4b:s7+s2] =	stream.linear.scatter [tilespmem:s16], [sflag:$0x4], $0x2700, $0x38;
	[tilespmem:$0x14448] =	vst v63  }
0x20: {  	_ =	swait.ge [sflag:s17], $0x2700  }
0x21: {  	[sflag:s17] =	ssyncset.done $0x0  }
0x22: {  	s0 =	simm.s32 @p2 $0x0;
	s20 =	simm.s32 @p2 $0x14348;
	[sflag:s17] =	ssyncadd.s32 $0xFFFFD900  }
0x23: {  	[hbm4b:s8+s0] =	stream.linear.scatter @p2 [tilespmem:s20], [sflag:$0x4], $0x100, $0x38;
	[tilespmem:$0x14448] =	vst v63  }
0x24: {  	s0 =	simm.s32 @p2 $0x4  }
0x25: {  	_ =	swait.ge @p2 [sflag:s0], $0x100  }
0x26: {  	s19 =	sadd.s32 $0x1, s19;
	[sflag:s0] =	ssyncset.done @p2 $0x0  }
0x27: {  	p3 =	sne.s32 s19, s9;
	[sflag:s0] =	ssyncadd.s32 @p2 $0xFFFFFF00  }
.Ltmp1:
0x28: {  	_ =	strace $0x8000004C;
	(pc) =	sbr.rel @!p3 .LBB2_8-.Ltmp1, $4  }
0x29: {  	_ =	swait.ge [sflag:s18], $0x2700  }
0x2a: {  	[sflag:s18] =	ssyncset.done $0x0  }
0x2b: {  	[sflag:s18] =	ssyncadd.s32 $0xFFFFD900  }
0x2c: {  	_ =	strace $0x9000004C  }
.LBB2_1:
0x2d: {  	[tilespmem:s10], [sflag:$0x2] =	stream.linear.gather [hbm4b:s6+s2], $0x4F00, $0x38;
	[tilespmem:$0x14448] =	vst v63  }
0x2e: {  	s20 =	simm.s32 @!p0 $0x1C04;
	_ =	strace $0x80000048  }
0x2f: {  	[spmem:s11], [sflag:s20] =	dma.local @!p0 [hbm:s3], $0x1390  }
0x30: {  	s20 =	simm.s32 @!p0 $0x4  }
0x31: {  	_ =	swait.ge @!p0 [sflag:s20], $0x1390  }
0x32: {  	[sflag:s20] =	ssyncset.done @!p0 $0x0  }
0x33: {  	[sflag:s20] =	ssyncadd.s32 @!p0 $0xFFFFEC70  }
0x34: {  	[bflag:$0x0] =	sbarrier.arrive $0xFFFF  }
0x35: {  	_ =	strace $0x90000048  }
0x36: {  	_ =	strace $0x80000049  }
0x37: {  	[tilespmem:s12], [sflag:$0x1] =	stream.linear.gather [spmem:s1], $0x9C80, $0x200038;
	[tilespmem:$0x14448] =	vst v63  }
0x38: {  	_ =	swait.ge [sflag:s13], $0x9C80  }
0x39: {  	[sflag:s13] =	ssyncset.done $0x0  }
0x3a: {  	[sflag:s13] =	ssyncadd.s32 $0xFFFF6380  }
0x3b: {  	p3 =	por $0x0, $0x0;
	s20 =	simm.s32 $0x1;
	_ =	swait.ge [sflag:s14], $0x4F00  }
0x3c: {  	s24 =	simm.s32 $0x0;
	s20 =	simm.s32 @!p3 $0x0;
	[sflag:s14] =	ssyncset.done $0x0  }
0x3d: {  	s21 =	sand.u32 $0x3F00, s2;
	s20 =	sshll.u32 s20, $0x6;
	[sflag:s14] =	ssyncadd.s32 $0xFFFFB100  }
0x3e: {  	s28 =	sand.u32 $0x40, s24;
	s23 =	sadd.s32 $0x0, s20;
	_ =	strace $0x90000049  }
0x3f: {  	s20 =	sor.u32 s28, s21;
	s29 =	sadd.s32 $0x30, s23;
	_ =	strace $0x8000004A  }
0x40: {  	s25 =	sor.u32 $0x80, s29;
	v0 =	vld [tilespmem:s20+$0xA678]  }
0x41: {  	s30 =	sadd.s32 $0x10, s23;
	v1 =	vld [tilespmem:s25+$0xA648]  }
0x42: {  	s31 =	sadd.s32 $0x20, s23;
	s22 =	sor.u32 $0x80, s30  }
0x43: {  	s21 =	sor.u32 $0x80, s31;
	v4 =	vld [tilespmem:s22+$0xA648]  }
0x44: {  	s23 =	sor.u32 $0x80, s23;
	v5 =	vld [tilespmem:s21+$0xA648]  }
0x45: {  	v6 =	vld [tilespmem:s23+$0xA648];
	v7 =	vadd.s32 $0x2710, v0  }
0x46: {  	v2 =	vld [tilespmem:s20+$0xA648];
	v8 =	vadd.s32 $0x4E20, v1  }
0x47: {  	v3 =	vld [tilespmem:s20+$0xA658];
	v9 =	vadd.s32 $0x7530, v1  }
0x48: {  	v10 =	vadd.s32 $0x4E20, v4;
	v1 =	vld [tilespmem:s20+$0xA668]  }
0x49: {  	v11 =	vadd.s32 $0x7530, v4;
	v12 =	vld.idx.msk [tilespmem:v0+s12+$0x0], $0xffff  }
0x4a: {  	v0 =	vadd.s32 $0x4E20, v5;
	v13 =	vld.idx.msk [tilespmem:v7+s12+$0x0], $0xffff  }
0x4b: {  	v5 =	vadd.s32 $0x7530, v5;
	v8 =	vld.idx.msk [tilespmem:v8+s12+$0x0], $0xffff  }
0x4c: {  	v7 =	vadd.s32 $0x4E20, v6;
	v9 =	vld.idx.msk [tilespmem:v9+s12+$0x0], $0xffff  }
0x4d: {  	v14 =	vadd.s32 $0x7530, v6;
	v4 =	vld.idx.msk [tilespmem:v10+s12+$0x0], $0xffff  }
0x4e: {  	v15 =	vadd.s32 $0x2710, v2;
	v6 =	vld.idx.msk [tilespmem:v11+s12+$0x0], $0xffff  }
0x4f: {  	v0 =	vld.idx.msk [tilespmem:v0+s12+$0x0], $0xffff  }
0x50: {  	v11 =	vadd.s32 $0x2710, v3;
	v5 =	vld.idx.msk [tilespmem:v5+s12+$0x0], $0xffff  }
0x51: {  	v10 =	vadd.s32 $0x2710, v1;
	v7 =	vld.idx.msk [tilespmem:v7+s12+$0x0], $0xffff;
	v16 =	vadd.f32 v8, v12  }
0x52: {  	v8 =	vld.idx.msk [tilespmem:v14+s12+$0x0], $0xffff  }
0x53: {  	s26 =	simm.s32 $0x0;
	p3 =	por !p3, !p3;
	v12 =	vadd.f32 v9, v13;
	v9 =	vld.idx.msk [tilespmem:v15+s12+$0x0], $0xffff;
	[tilespmem:s20+$0xF578] =	vst v16  }
.LBB2_2:
0x54: {  	s28 =	simm.s32 $0x1  }
0x55: {  	v11 =	vld.idx.msk [tilespmem:v11+s12+$0x0], $0xffff;
	[tilespmem:s25+$0xF548] =	vst v12;
	s28 =	simm.s32 @!p3 $0x0  }
0x56: {  	s24 =	sadd.s32 $0x40, s24;
	s26 =	sadd.s32 $0x80, s26;
	s25 =	sshll.u32 s28, $0x6;
	v10 =	vld.idx.msk [tilespmem:v10+s12+$0x0], $0xffff  }
0x57: {  	s28 =	sand.u32 $0x3F00, s26;
	s29 =	sadd.s32 s25, s26;
	s25 =	sand.u32 $0x40, s24;
	v2 =	vld.idx.msk [tilespmem:v2+s12+$0x0], $0xffff  }
0x58: {  	s28 =	sor.u32 s25, s28;
	s25 =	sadd.s32 $0x10, s29;
	s30 =	sadd.s32 $0x30, s29;
	v3 =	vld.idx.msk [tilespmem:v3+s12+$0x0], $0xffff  }
0x59: {  	s0 =	sadd.s32 $0x20, s29;
	s31 =	sor.u32 $0x80, s25;
	v12 =	vld [tilespmem:s28+$0xA678];
	s25 =	sor.u32 $0x80, s30  }
0x5a: {  	p4 =	slt.u32 s24, $0x1340;
	v8 =	vadd.f32 v8, v9;
	s30 =	sor.u32 $0x80, s29;
	s29 =	sor.u32 $0x80, s0;
	v13 =	vld [tilespmem:s25+$0xA648]  }
0x5b: {  	v6 =	vadd.f32 v6, v11;
	v9 =	vld [tilespmem:s31+$0xA648]  }
0x5c: {  	v14 =	vadd.f32 v5, v10;
	v11 =	vld [tilespmem:s29+$0xA648]  }
0x5d: {  	v7 =	vadd.f32 v7, v2;
	v5 =	vld [tilespmem:s30+$0xA648]  }
0x5e: {  	v4 =	vadd.f32 v4, v3;
	v2 =	vld [tilespmem:s28+$0xA648];
	v10 =	vadd.s32 $0x2710, v12  }
0x5f: {  	v3 =	vld [tilespmem:s28+$0xA658];
	v15 =	vadd.s32 $0x4E20, v13;
	[tilespmem:s20+$0xF548] =	vst v7  }
0x60: {  	v13 =	vadd.s32 $0x7530, v13;
	v7 =	vadd.s32 $0x4E20, v9;
	v9 =	vadd.s32 $0x7530, v9;
	v16 =	vld [tilespmem:s28+$0xA668];
	[tilespmem:s20+$0xF558] =	vst v4  }
0x61: {  	v17 =	vadd.s32 $0x4E20, v11;
	v18 =	vadd.s32 $0x7530, v11;
	[tilespmem:s22+$0xF548] =	vst v6;
	v19 =	vld.idx.msk [tilespmem:v1+s12+$0x0], $0xffff;
	s22 =	smov.u32 s31  }
0x62: {  	v20 =	vadd.s32 $0x4E20, v5;
	v21 =	vadd.s32 $0x7530, v5;
	v12 =	vld.idx.msk [tilespmem:v12+s12+$0x0], $0xffff;
	[tilespmem:s23+$0xF548] =	vst v8;
	s23 =	smov.u32 s30  }
0x63: {  	v22 =	vadd.s32 $0x2710, v2;
	v23 =	vld.idx.msk [tilespmem:v10+s12+$0x0], $0xffff  }
0x64: {  	v11 =	vadd.s32 $0x2710, v3;
	v8 =	vld.idx.msk [tilespmem:v15+s12+$0x0], $0xffff  }
0x65: {  	v10 =	vadd.s32 $0x2710, v16;
	v13 =	vld.idx.msk [tilespmem:v13+s12+$0x0], $0xffff;
	v1 =	vmov v16  }
0x66: {  	v4 =	vld.idx.msk [tilespmem:v7+s12+$0x0], $0xffff  }
0x67: {  	v7 =	vadd.f32 v0, v19;
	v6 =	vld.idx.msk [tilespmem:v9+s12+$0x0], $0xffff  }
.Ltmp2:
0x68: {  	v0 =	vld.idx.msk [tilespmem:v17+s12+$0x0], $0xffff;
	(pc) =	sbr.rel @p4 .LBB2_2-.Ltmp2, $4  }
0x69: {  	v5 =	vld.idx.msk [tilespmem:v18+s12+$0x0], $0xffff;
	[tilespmem:s20+$0xF568] =	vst v7;
	s20 =	smov.u32 s28  }
0x6a: {  	v15 =	vadd.f32 v8, v12;
	v7 =	vld.idx.msk [tilespmem:v20+s12+$0x0], $0xffff;
	[tilespmem:s21+$0xF548] =	vst v14;
	s21 =	smov.u32 s29  }
0x6b: {  	v12 =	vadd.f32 v13, v23;
	v8 =	vld.idx.msk [tilespmem:v21+s12+$0x0], $0xffff  }
0x6c: {  	p3 =	por !p3, !p3;
	v9 =	vld.idx.msk [tilespmem:v22+s12+$0x0], $0xffff;
	[tilespmem:s20+$0xF578] =	vst v15  }
0x6d: {  	_ =	sdelay $0x3  }
0x6e: {  	v2 =	vld.idx.msk [tilespmem:v2+s12+$0x0], $0xffff  }
0x6f: {  	v3 =	vld.idx.msk [tilespmem:v3+s12+$0x0], $0xffff  }
0x70: {  	v1 =	vld.idx.msk [tilespmem:v1+s12+$0x0], $0xffff  }
0x71: {  	v11 =	vld.idx.msk [tilespmem:v11+s12+$0x0], $0xffff;
	_ =	sdelay $0x1  }
0x72: {  	v10 =	vld.idx.msk [tilespmem:v10+s12+$0x0], $0xffff;
	v2 =	vadd.f32 v7, v2  }
0x73: {  	[tilespmem:s25+$0xF548] =	vst v12;
	v3 =	vadd.f32 v4, v3  }
0x74: {  	v0 =	vadd.f32 v0, v1;
	[tilespmem:s20+$0xF548] =	vst v2  }
0x75: {  	v61 =	vadd.f32 v6, v11;
	[tilespmem:s20+$0xF558] =	vst v3  }
0x76: {  	v62 =	vadd.f32 v8, v9;
	[tilespmem:s20+$0xF568] =	vst v0  }
0x77: {  	v63 =	vadd.f32 v5, v10;
	[tilespmem:s22+$0xF548] =	vst v61  }
.Ltmp3:
0x78: {  	[tilespmem:s23+$0xF548] =	vst v62;
	(pc) =	sbr.rel @p1 .LBB2_7-.Ltmp3, $4  }
0x79: {  	[tilespmem:s21+$0xF548] =	vst v63  }
0x7a: {  	_ =	strace $0x9000004A  }
0x7b: {  	[hbm4b:s4+s2] =	stream.linear.scatter [tilespmem:s15], [sflag:$0x3], $0x2700, $0x38;
	[tilespmem:$0x14448] =	vst v63  }
0x7c: {  	_ =	strace $0x8000004B  }
0x7d: {  	p3 =	por $0x0, $0x0;
	s0 =	simm.s32 $0x1  }
0x7e: {  	s0 =	simm.s32 @!p3 $0x0  }
0x7f: {  	s20 =	simm.s32 $0x1380;
	s22 =	simm.s32 $0x2700;
	s0 =	sshll.u32 s0, $0x6  }
0x80: {  	s20 =	sand.u32 $0x40, s20;
	s23 =	sand.u32 $0xFFFFFF00, s22;
	s0 =	sadd.s32 $0x0, s0  }
0x81: {  	s20 =	sor.u32 s20, s23;
	s30 =	sadd.s32 $0x2730, s0  }
0x82: {  	v0 =	vld [tilespmem:s20+$0xA678];
	s26 =	sor.u32 $0x80, s30  }
0x83: {  	s31 =	sadd.s32 $0x2700, s0;
	v1 =	vld [tilespmem:s26+$0xA648]  }
0x84: {  	s25 =	sor.u32 $0x80, s31  }
0x85: {  	s24 =	sadd.s32 $0x2710, s0;
	v4 =	vld [tilespmem:s25+$0xA648]  }
0x86: {  	v2 =	vld [tilespmem:s20+$0xA648];
	s0 =	sadd.s32 $0x2720, s0;
	s23 =	sor.u32 $0x80, s24  }
0x87: {  	s24 =	sor.u32 $0x80, s0;
	v5 =	vld [tilespmem:s23+$0xA648];
	v7 =	vadd.s32 $0x2710, v0  }
0x88: {  	v6 =	vld [tilespmem:s24+$0xA648];
	v8 =	vadd.s32 $0x4E20, v1  }
0x89: {  	v3 =	vld [tilespmem:s20+$0xA658];
	v9 =	vadd.s32 $0x7530, v1  }
0x8a: {  	v10 =	vadd.s32 $0x4E20, v4;
	v1 =	vld [tilespmem:s20+$0xA668]  }
0x8b: {  	v11 =	vadd.s32 $0x7530, v4;
	v12 =	vld.idx.msk [tilespmem:v0+s12+$0x0], $0xffff  }
0x8c: {  	v0 =	vadd.s32 $0x4E20, v5;
	v13 =	vld.idx.msk [tilespmem:v7+s12+$0x0], $0xffff  }
0x8d: {  	v14 =	vadd.s32 $0x4E20, v6;
	v8 =	vld.idx.msk [tilespmem:v8+s12+$0x0], $0xffff  }
0x8e: {  	v15 =	vld.idx.msk [tilespmem:v9+s12+$0x0], $0xffff;
	v9 =	vadd.s32 $0x7530, v6  }
0x8f: {  	v7 =	vadd.s32 $0x7530, v5;
	v4 =	vld.idx.msk [tilespmem:v10+s12+$0x0], $0xffff  }
0x90: {  	p4 =	sgt.s32 s5, $0x13C0;
	v10 =	vadd.s32 $0x2710, v2;
	v6 =	vld.idx.msk [tilespmem:v11+s12+$0x0], $0xffff  }
.Ltmp4:
0x91: {  	v5 =	vld.idx.msk [tilespmem:v0+s12+$0x0], $0xffff;
	(pc) =	sbr.rel @!p4 .LBB2_6-.Ltmp4, $4  }
0x92: {  	v0 =	vld.idx.msk [tilespmem:v14+s12+$0x0], $0xffff;
	v11 =	vadd.s32 $0x2710, v3  }
0x93: {  	v14 =	vadd.f32 v8, v12;
	v8 =	vld.idx.msk [tilespmem:v9+s12+$0x0], $0xffff;
	v9 =	vadd.s32 $0x2710, v1  }
0x94: {  	s21 =	simm.s32 $0x0;
	v7 =	vld.idx.msk [tilespmem:v7+s12+$0x0], $0xffff  }
0x95: {  	s10 =	smov.u32 s1;
	s28 =	simm.s32 $0x13C0;
	p3 =	por !p3, !p3;
	v12 =	vadd.f32 v15, v13;
	v10 =	vld.idx.msk [tilespmem:v10+s12+$0x0], $0xffff;
	[tilespmem:s20+$0xF578] =	vst v14  }
.LBB2_5:
0x96: {  	s0 =	simm.s32 $0x1  }
0x97: {  	v11 =	vld.idx.msk [tilespmem:v11+s12+$0x0], $0xffff;
	[tilespmem:s26+$0xF548] =	vst v12;
	s21 =	sadd.s32 $0x80, s21;
	s22 =	sadd.s32 $0x80, s22;
	s0 =	simm.s32 @!p3 $0x0  }
0x98: {  	s26 =	sand.u32 $0x40, s28;
	s28 =	sadd.s32 $0x40, s28;
	s0 =	sshll.u32 s0, $0x6;
	v9 =	vld.idx.msk [tilespmem:v9+s12+$0x0], $0xffff  }
0x99: {  	s29 =	sand.u32 $0xFFFFFF00, s22;
	p4 =	slt.s32 s28, s5;
	s0 =	sadd.s32 s0, s21;
	v2 =	vld.idx.msk [tilespmem:v2+s12+$0x0], $0xffff  }
0x9a: {  	s29 =	sor.u32 s26, s29;
	s30 =	sadd.s32 $0x2700, s0;
	s26 =	sadd.s32 $0x2730, s0;
	v3 =	vld.idx.msk [tilespmem:v3+s12+$0x0], $0xffff  }
0x9b: {  	s31 =	sadd.s32 $0x2710, s0;
	s0 =	sadd.s32 $0x2720, s0;
	v12 =	vld [tilespmem:s29+$0xA678];
	s26 =	sor.u32 $0x80, s26  }
0x9c: {  	v6 =	vadd.f32 v6, v10;
	s1 =	sor.u32 $0x80, s30;
	s31 =	sor.u32 $0x80, s31;
	s30 =	sor.u32 $0x80, s0;
	v13 =	vld [tilespmem:s26+$0xA648]  }
0x9d: {  	v7 =	vadd.f32 v7, v11;
	v10 =	vld [tilespmem:s1+$0xA648]  }
0x9e: {  	v8 =	vadd.f32 v8, v9;
	v11 =	vld [tilespmem:s31+$0xA648]  }
0x9f: {  	v4 =	vadd.f32 v4, v2;
	v9 =	vld [tilespmem:s30+$0xA648]  }
0xa0: {  	v5 =	vadd.f32 v5, v3;
	v2 =	vld [tilespmem:s29+$0xA648];
	v14 =	vadd.s32 $0x2710, v12  }
0xa1: {  	v3 =	vld [tilespmem:s29+$0xA658];
	v15 =	vadd.s32 $0x4E20, v13;
	[tilespmem:s20+$0xF548] =	vst v4  }
0xa2: {  	v13 =	vadd.s32 $0x7530, v13;
	v4 =	vadd.s32 $0x4E20, v10;
	v10 =	vadd.s32 $0x7530, v10;
	v16 =	vld [tilespmem:s29+$0xA668];
	[tilespmem:s25+$0xF548] =	vst v6;
	s25 =	smov.u32 s1  }
0xa3: {  	v17 =	vadd.s32 $0x4E20, v11;
	v18 =	vadd.s32 $0x7530, v11;
	[tilespmem:s20+$0xF558] =	vst v5;
	v5 =	vld.idx.msk [tilespmem:v1+s12+$0x0], $0xffff  }
0xa4: {  	v19 =	vadd.s32 $0x4E20, v9;
	v20 =	vadd.s32 $0x7530, v9;
	v12 =	vld.idx.msk [tilespmem:v12+s12+$0x0], $0xffff;
	[tilespmem:s23+$0xF548] =	vst v7;
	s23 =	smov.u32 s31  }
0xa5: {  	v21 =	vadd.s32 $0x2710, v2;
	v14 =	vld.idx.msk [tilespmem:v14+s12+$0x0], $0xffff  }
0xa6: {  	v11 =	vadd.s32 $0x2710, v3;
	v15 =	vld.idx.msk [tilespmem:v15+s12+$0x0], $0xffff  }
0xa7: {  	v9 =	vadd.s32 $0x2710, v16;
	v13 =	vld.idx.msk [tilespmem:v13+s12+$0x0], $0xffff;
	v1 =	vmov v16  }
0xa8: {  	v4 =	vld.idx.msk [tilespmem:v4+s12+$0x0], $0xffff  }
0xa9: {  	v0 =	vadd.f32 v0, v5;
	v6 =	vld.idx.msk [tilespmem:v10+s12+$0x0], $0xffff  }
.Ltmp5:
0xaa: {  	v5 =	vld.idx.msk [tilespmem:v17+s12+$0x0], $0xffff;
	(pc) =	sbr.rel @p4 .LBB2_5-.Ltmp5, $4  }
0xab: {  	v7 =	vld.idx.msk [tilespmem:v18+s12+$0x0], $0xffff;
	[tilespmem:s20+$0xF568] =	vst v0;
	s20 =	smov.u32 s29  }
0xac: {  	v15 =	vadd.f32 v15, v12;
	v0 =	vld.idx.msk [tilespmem:v19+s12+$0x0], $0xffff;
	[tilespmem:s24+$0xF548] =	vst v8;
	s24 =	smov.u32 s30  }
0xad: {  	v12 =	vadd.f32 v13, v14;
	v8 =	vld.idx.msk [tilespmem:v20+s12+$0x0], $0xffff  }
0xae: {  	p3 =	por !p3, !p3;
	v10 =	vld.idx.msk [tilespmem:v21+s12+$0x0], $0xffff;
	[tilespmem:s20+$0xF578] =	vst v15  }
.Ltmp6:
0xaf: {  	_ = 	snop;
	(pc) =	sbr.rel .LBB2_6-.Ltmp6, $1  }
0xb0: {  	_ =	sdelay $0x3  }
.LBB2_8:
0xb1: {  	_ =	sfence.sel $0x180000  }
0xb2: {  	[bflag:$0x0] =	sbarrier.arrive $0xFFFF  }
0xb3: {  	_ =	strace $0x90000047  }
0xb4: {  	[bflag:$0x2] =	sbarrier.arrive $0xFFFF  }
0xb5: {  	s0 =	rddreg [dreg:$0x4]  }
0xb6: {  	s0 =	sadd.s32 @!p0 $0x100000, s0  }
0xb7: {  	[sflag:s0] =	ssyncadd.tile.s32 @!p0 $0x1;
	_ =	shalt  }
.Lfunc_end2:
_tile_overlayer_lowered:
.L_overlay_start_2:
0xb8: {  	(tag) =	ssettag $0x2  }
0xb9: {  	s0 =	rddreg [dreg:$0x0];
	s2 =	stileid.u32  }
0xba: {  	s1 =	rddreg [dreg:$0x1];
	p0 =	sne.s32 s2, $0x0  }
0xbb: {  	s3 =	rddreg [dreg:$0x2];
	[bflag:$0x3] =	sbarrier.arrive $0xFFFF;
	s2 =	simm.s32 @!p0 $0x1C04  }
0xbc: {  	[timem:s3], [sflag:s2] =	dma.local @!p0 [hbm:s0], s1  }
0xbd: {  	s0 =	simm.s32 @!p0 $0x4  }
0xbe: {  	_ =	swait.ge @!p0 [sflag:s0], s1  }
0xbf: {  	s1 =	ssub.s32 @!p0 $0x0, s1;
	[sflag:s0] =	ssyncset.done @!p0 $0x0  }
0xc0: {  	[sflag:s0] =	ssyncadd.s32 @!p0 s1  }
0xc1: {  	[bflag:$0x3] =	sbarrier.arrive $0xFFFF  }
0xc2: {  	_ =	shalt  }

</sc_bundles>
